<compile_context>
chip_gen: v7x
topology: tpu7x:2x2x1
jax: 0.10.2.dev20260603
libtpu: 0.0.44.dev20260713+nightly
codegen_flags: <defaults>
</compile_context>

<pallas_src>
import functools

import jax
import jax.numpy as jnp
from jax import lax
from jax.experimental import pallas as pl
from jax.experimental.pallas import tpu as pltpu
from jax.experimental.pallas import tpu_sc as plsc

N = 10000
E = 160000
FEAT = 256
EMBED = 256
HALF = 128

NS = 16
CH = 128
E_PAD = ((E + NS * CH - 1) // (NS * CH)) * (NS * CH)
EPT = E_PAD // NS
NCHUNK = EPT // CH
NACC = 10240
ZPT = NACC // NS
OPT = 632
OPT_LAST = N - 15 * OPT



def _gemm_body(x_ref, w_ref, o0_ref, o1_ref):
    h = lax.dot_general(x_ref[...], w_ref[...], (((1,), (1,)), ((), ())),
                        preferred_element_type=jnp.float32)
    o0_ref[...] = h[:, :HALF]
    o1_ref[...] = h[:, HALF:]


def _gemm(x, w):
    br = 1000
    return pl.pallas_call(
        _gemm_body,
        grid=(N // br,),
        in_specs=[
            pl.BlockSpec((br, FEAT), lambda i: (i, 0)),
            pl.BlockSpec((EMBED, FEAT), lambda i: (0, 0)),
        ],
        out_specs=[
            pl.BlockSpec((br, HALF), lambda i: (i, 0)),
            pl.BlockSpec((br, HALF), lambda i: (i, 0)),
        ],
        out_shape=[
            jax.ShapeDtypeStruct((N, HALF), jnp.float32),
            jax.ShapeDtypeStruct((N, HALF), jnp.float32),
        ],
    )(x, w)



_MESH = plsc.VectorSubcoreMesh(core_axis_name="c", subcore_axis_name="s")


@functools.partial(
    pl.kernel,
    mesh=_MESH,
    out_type=(
        jax.ShapeDtypeStruct((N, HALF), jnp.float32),
        jax.ShapeDtypeStruct((N, HALF), jnp.float32),
    ),
    scratch_types=[
        pltpu.VMEM((CH,), jnp.int32),
        pltpu.VMEM((CH,), jnp.int32),
        pltpu.VMEM((CH, HALF), jnp.float32),
        pltpu.VMEM_SHARED((NACC, HALF), jnp.float32),
        pltpu.SemaphoreType.DMA,
    ],
)
def _sc_aggregate(h0, h1, srcp, dstp, zrows, out0, out1,
                  src_v, dst_v, rows_v, acc, sem):
    c = lax.axis_index("c")
    s = lax.axis_index("s")

    pltpu.sync_copy(zrows, acc.at[pl.ds(s * ZPT, ZPT)])
    plsc.subcore_barrier()

    def run(h_ref, out_ref):
        def body(i, carry):
            base = s * EPT + i * CH
            pltpu.sync_copy(srcp.at[pl.ds(base, CH)], src_v)
            pltpu.sync_copy(dstp.at[pl.ds(base, CH)], dst_v)
            pltpu.async_copy(h_ref.at[src_v], rows_v, sem).wait()
            pltpu.sync_copy(rows_v, acc.at[dst_v], add=True)
            return carry

        lax.fori_loop(0, NCHUNK, body, 0)
        plsc.subcore_barrier()
        r0 = s * OPT

        @pl.when(s < NS - 1)
        def _():
            pltpu.sync_copy(acc.at[pl.ds(r0, OPT)], out_ref.at[pl.ds(r0, OPT)])

        @pl.when(s == NS - 1)
        def _():
            pltpu.sync_copy(acc.at[pl.ds(15 * OPT, OPT_LAST)],
                            out_ref.at[pl.ds(15 * OPT, OPT_LAST)])

    @pl.when(c == 0)
    def _():
        run(h0, out0)

    @pl.when(c == 1)
    def _():
        run(h1, out1)



def kernel(x, edge_index, W):
    h0, h1 = _gemm(x, W)
    pad = E_PAD - E
    srcp = jnp.concatenate([edge_index[0], jnp.zeros((pad,), jnp.int32)])
    dstp = jnp.concatenate([edge_index[1], jnp.full((pad,), N, jnp.int32)])
    zrows = jnp.zeros((ZPT, HALF), jnp.float32)
    o0, o1 = _sc_aggregate(h0, h1, srcp, dstp, zrows)
    return jnp.concatenate([o0, o1], axis=1)

# --- scband reference (transcript-rebuilt; emitter-appended) ---
"""Pipeline reference for scband-fused-gcnlayer-2714419331421 (READ-ONLY COPY).

The authoritative reference and input builder live on the scoring server;
editing this copy changes nothing except your own understanding.
"""

import jax, jax.numpy as jnp
import numpy as np

N = 10000
E = 160000
FEAT = 256
EMBED = 256

def setup_inputs(seed: int = 0) -> dict:
    key = jax.random.key(seed)
    k1, k2, k3 = jax.random.split(key, 3)
    x = jax.random.normal(k1, (N, FEAT), dtype=jnp.float32)
    edge_index = jax.random.randint(k2, (2, E), 0, N, dtype=jnp.int32)
    # xavier_uniform init for weight of shape (embed_dim, feat_dim)
    limit = float(np.sqrt(6.0 / (FEAT + EMBED)))
    W = jax.random.uniform(k3, (EMBED, FEAT), dtype=jnp.float32, minval=-limit, maxval=limit)
    return {"x": x, "edge_index": edge_index, "W": W}

def reference(x, edge_index, W):
    # fusedGeMMSpMM: out = adj @ (x @ W^T)
    # adj is a binary sparse adjacency represented as edge_index (src, dst)
    h = x @ W.T                      # dense GEMM: [N, FEAT] x [FEAT, EMBED] -> [N, EMBED]
    src = edge_index[0]
    dst = edge_index[1]
    gathered = jnp.take(h, src, axis=0)   # gather along src nodes
    out = jax.ops.segment_sum(gathered, dst, num_segments=N)  # scatter-add SpMM
    return out

if __name__ == "__main__":
    import jax
    _d = setup_inputs()
    print(jax.jit(kernel)(*tuple(_d.values())))

</pallas_src>

<mosaic_0001>
#map = affine_map<(d0, d1) -> (0, 0)>
#map1 = affine_map<(d0, d1) -> (0)>
module attributes {stable_mosaic.version = 14 : i64} {
  func.func @_sc_aggregate(%arg0: i32, %arg1: i32, %arg2: memref<10000x128xf32, #tpu.memory_space<hbm>>, %arg3: memref<10000x128xf32, #tpu.memory_space<hbm>>, %arg4: memref<161792xi32, #tpu.memory_space<hbm>>, %arg5: memref<161792xi32, #tpu.memory_space<hbm>>, %arg6: memref<640x128xf32, #tpu.memory_space<hbm>>, %arg7: memref<10000x128xf32, #tpu.memory_space<hbm>>, %arg8: memref<10000x128xf32, #tpu.memory_space<hbm>>, %arg9: memref<128xi32, #tpu.memory_space<vmem>>, %arg10: memref<128xi32, #tpu.memory_space<vmem>>, %arg11: memref<128x128xf32, #tpu.memory_space<vmem>>, %arg12: memref<10240x128xf32, #tpu.memory_space<vmem_shared>>, %arg13: memref<!tpu.dma_semaphore, #tpu.memory_space<semaphore_mem>>) attributes {dimension_semantics = [#tpu.dimension_semantics<core_parallel>, #tpu.dimension_semantics<subcore_parallel>], iteration_bounds = array<i64: 2, 16>, scalar_prefetch = 0 : i64, scratch_operands = 5 : i64, tpu.core_type = #tpu.core_type<sc_vector_subcore>, window_params = [{transform_indices = #map}, {transform_indices = #map}, {transform_indices = #map1}, {transform_indices = #map1}, {transform_indices = #map}, {transform_indices = #map}, {transform_indices = #map}]} {
    %mul3A = arith.constant 640 : i32
    %mul3A_0 = arith.muli %arg1, %mul3A : i32
    "tpu.region"() ({
      %run_scoped3A = tpu.sem_alloc : memref<!tpu.dma_semaphore, #tpu.memory_space<semaphore_mem>>
      %dma_start3A = arith.constant 0 : i32
      %dma_start3A_8 = tpu.memref_slice %arg12[%mul3A_0, %dma_start3A] : memref<10240x128xf32, #tpu.memory_space<vmem_shared>> -> memref<640x128xf32, #tpu.memory_space<vmem_shared>>
      tpu.enqueue_dma source(%arg6 : memref<640x128xf32, #tpu.memory_space<hbm>>) target(%dma_start3A_8 : memref<640x128xf32, #tpu.memory_space<vmem_shared>>) target_semaphore(%run_scoped3A : memref<!tpu.dma_semaphore, #tpu.memory_space<semaphore_mem>>)
      %dma_wait3A = arith.constant 0 : i32
      %dma_wait3A_9 = tpu.memref_slice %arg12[%mul3A_0, %dma_wait3A] : memref<10240x128xf32, #tpu.memory_space<vmem_shared>> -> memref<640x128xf32, #tpu.memory_space<vmem_shared>>
      tpu.wait_dma2 semaphore(%run_scoped3A : memref<!tpu.dma_semaphore, #tpu.memory_space<semaphore_mem>>) src(%arg6 : memref<640x128xf32, #tpu.memory_space<hbm>>) dst(%dma_wait3A_9 : memref<640x128xf32, #tpu.memory_space<vmem_shared>>)
      tpu.yield
    }) : () -> ()
    %barrier3A = arith.constant 0 : index
    tpu.barrier barrier_id(%barrier3A)
    %eq3A = arith.constant 0 : i32
    %eq3A_1 = arith.cmpi eq, %arg0, %eq3A : i32
    %convert_element_type3A = arith.extui %eq3A_1 : i1 to i32
    %cond3A = arith.constant 0 : i32
    %cond3A_2 = arith.cmpi ne, %convert_element_type3A, %cond3A : i32
    scf.if %cond3A_2 {
      %scan3A = arith.constant 0 : i32
      %scan3A_8 = arith.constant 0 : i32
      %scan3A_9 = arith.constant 79 : i32
      %scan3A_10 = arith.addi %scan3A_8, %scan3A_9 : i32
      %scan3A_11 = arith.constant 1 : i32
      scf.for %scan3A_25 = %scan3A_8 to %scan3A_10 step %scan3A_11  : i32 {
        %mul3A_26 = arith.constant 10112 : i32
        %mul3A_27 = arith.muli %arg1, %mul3A_26 : i32
        %mul3A_28 = arith.constant 128 : i32
        %mul3A_29 = arith.muli %scan3A_25, %mul3A_28 : i32
        %add3A = arith.addi %mul3A_27, %mul3A_29 : i32
        "tpu.region"() ({
          %run_scoped3A = tpu.sem_alloc : memref<!tpu.dma_semaphore, #tpu.memory_space<semaphore_mem>>
          %dma_start3A_34 = tpu.memref_slice %arg4[%add3A] : memref<161792xi32, #tpu.memory_space<hbm>> -> memref<128xi32, #tpu.memory_space<hbm>>
          %dma_start3A_35 = tpu.memref_slice %arg4[%add3A] : memref<161792xi32, #tpu.memory_space<hbm>> -> memref<128xi32, #tpu.memory_space<hbm>>
          tpu.enqueue_dma source(%dma_start3A_35 : memref<128xi32, #tpu.memory_space<hbm>>) target(%arg9 : memref<128xi32, #tpu.memory_space<vmem>>) target_semaphore(%run_scoped3A : memref<!tpu.dma_semaphore, #tpu.memory_space<semaphore_mem>>)
          %dma_wait3A_36 = tpu.memref_slice %arg4[%add3A] : memref<161792xi32, #tpu.memory_space<hbm>> -> memref<128xi32, #tpu.memory_space<hbm>>
          %dma_wait3A_37 = tpu.memref_slice %arg4[%add3A] : memref<161792xi32, #tpu.memory_space<hbm>> -> memref<128xi32, #tpu.memory_space<hbm>>
          tpu.wait_dma2 semaphore(%run_scoped3A : memref<!tpu.dma_semaphore, #tpu.memory_space<semaphore_mem>>) src(%dma_wait3A_37 : memref<128xi32, #tpu.memory_space<hbm>>) dst(%arg9 : memref<128xi32, #tpu.memory_space<vmem>>)
          tpu.yield
        }) : () -> ()
        "tpu.region"() ({
          %run_scoped3A = tpu.sem_alloc : memref<!tpu.dma_semaphore, #tpu.memory_space<semaphore_mem>>
          %dma_start3A_34 = tpu.memref_slice %arg5[%add3A] : memref<161792xi32, #tpu.memory_space<hbm>> -> memref<128xi32, #tpu.memory_space<hbm>>
          %dma_start3A_35 = tpu.memref_slice %arg5[%add3A] : memref<161792xi32, #tpu.memory_space<hbm>> -> memref<128xi32, #tpu.memory_space<hbm>>
          tpu.enqueue_dma source(%dma_start3A_35 : memref<128xi32, #tpu.memory_space<hbm>>) target(%arg10 : memref<128xi32, #tpu.memory_space<vmem>>) target_semaphore(%run_scoped3A : memref<!tpu.dma_semaphore, #tpu.memory_space<semaphore_mem>>)
          %dma_wait3A_36 = tpu.memref_slice %arg5[%add3A] : memref<161792xi32, #tpu.memory_space<hbm>> -> memref<128xi32, #tpu.memory_space<hbm>>
          %dma_wait3A_37 = tpu.memref_slice %arg5[%add3A] : memref<161792xi32, #tpu.memory_space<hbm>> -> memref<128xi32, #tpu.memory_space<hbm>>
          tpu.wait_dma2 semaphore(%run_scoped3A : memref<!tpu.dma_semaphore, #tpu.memory_space<semaphore_mem>>) src(%dma_wait3A_37 : memref<128xi32, #tpu.memory_space<hbm>>) dst(%arg10 : memref<128xi32, #tpu.memory_space<vmem>>)
          tpu.yield
        }) : () -> ()
        %dma_start3A = arith.constant 0 : i32
        %dma_start3A_30 = arith.constant 0 : i32
        %dma_start3A_31 = tpu.memref_slice %arg2[%dma_start3A, %dma_start3A_30] : memref<10000x128xf32, #tpu.memory_space<hbm>> -> memref<10000x128xf32, #tpu.memory_space<hbm>>
        tpu.enqueue_indirect_dma source(%dma_start3A_31 : memref<10000x128xf32, #tpu.memory_space<hbm>>) target(%arg11 : memref<128x128xf32, #tpu.memory_space<vmem>>) offsets(%arg9 : memref<128xi32, #tpu.memory_space<vmem>>) semaphore(%arg13 : memref<!tpu.dma_semaphore, #tpu.memory_space<semaphore_mem>>)
        %dma_wait3A = arith.constant 0 : i32
        %dma_wait3A_32 = arith.constant 0 : i32
        %dma_wait3A_33 = tpu.memref_slice %arg2[%dma_wait3A, %dma_wait3A_32] : memref<10000x128xf32, #tpu.memory_space<hbm>> -> memref<10000x128xf32, #tpu.memory_space<hbm>>
        tpu.wait_indirect_dma semaphore(%arg13 : memref<!tpu.dma_semaphore, #tpu.memory_space<semaphore_mem>>) src(%dma_wait3A_33 : memref<10000x128xf32, #tpu.memory_space<hbm>>) dst(%arg11 : memref<128x128xf32, #tpu.memory_space<vmem>>)
        "tpu.region"() ({
          %run_scoped3A = tpu.sem_alloc : memref<!tpu.dma_semaphore, #tpu.memory_space<semaphore_mem>>
          %dma_start3A_34 = arith.constant 0 : i32
          %dma_start3A_35 = arith.constant 0 : i32
          %dma_start3A_36 = tpu.memref_slice %arg12[%dma_start3A_34, %dma_start3A_35] : memref<10240x128xf32, #tpu.memory_space<vmem_shared>> -> memref<10240x128xf32, #tpu.memory_space<vmem_shared>>
          tpu.enqueue_indirect_dma source(%arg11 : memref<128x128xf32, #tpu.memory_space<vmem>>) target(%dma_start3A_36 : memref<10240x128xf32, #tpu.memory_space<vmem_shared>>) offsets(%arg10 : memref<128xi32, #tpu.memory_space<vmem>>) semaphore(%run_scoped3A : memref<!tpu.dma_semaphore, #tpu.memory_space<semaphore_mem>>) {add = true}
          %dma_wait3A_37 = arith.constant 0 : i32
          %dma_wait3A_38 = arith.constant 0 : i32
          %dma_wait3A_39 = tpu.memref_slice %arg12[%dma_wait3A_37, %dma_wait3A_38] : memref<10240x128xf32, #tpu.memory_space<vmem_shared>> -> memref<10240x128xf32, #tpu.memory_space<vmem_shared>>
          tpu.wait_indirect_dma semaphore(%run_scoped3A : memref<!tpu.dma_semaphore, #tpu.memory_space<semaphore_mem>>) src(%arg11 : memref<128x128xf32, #tpu.memory_space<vmem>>) dst(%dma_wait3A_39 : memref<10240x128xf32, #tpu.memory_space<vmem_shared>>)
          tpu.yield
        }) : () -> ()
      }
      %scan3A_12 = arith.constant 79 : i32
      %barrier3A_13 = arith.constant 0 : index
      tpu.barrier barrier_id(%barrier3A_13)
      %mul3A_14 = arith.constant 632 : i32
      %mul3A_15 = arith.muli %arg1, %mul3A_14 : i32
      %lt3A = arith.constant 15 : i32
      %lt3A_16 = arith.cmpi slt, %arg1, %lt3A : i32
      %convert_element_type3A_17 = arith.extui %lt3A_16 : i1 to i32
      %cond3A_18 = arith.constant 0 : i32
      %cond3A_19 = arith.cmpi ne, %convert_element_type3A_17, %cond3A_18 : i32
      scf.if %cond3A_19 {
        "tpu.region"() ({
          %run_scoped3A = tpu.sem_alloc : memref<!tpu.dma_semaphore, #tpu.memory_space<semaphore_mem>>
          %dma_start3A = arith.constant 0 : i32
          %dma_start3A_25 = tpu.memref_slice %arg7[%mul3A_15, %dma_start3A] : memref<10000x128xf32, #tpu.memory_space<hbm>> -> memref<632x128xf32, #tpu.memory_space<hbm>>
          %dma_start3A_26 = arith.constant 0 : i32
          %dma_start3A_27 = tpu.memref_slice %arg12[%mul3A_15, %dma_start3A_26] : memref<10240x128xf32, #tpu.memory_space<vmem_shared>> -> memref<632x128xf32, #tpu.memory_space<vmem_shared>>
          tpu.enqueue_dma source(%dma_start3A_27 : memref<632x128xf32, #tpu.memory_space<vmem_shared>>) target(%dma_start3A_25 : memref<632x128xf32, #tpu.memory_space<hbm>>) target_semaphore(%run_scoped3A : memref<!tpu.dma_semaphore, #tpu.memory_space<semaphore_mem>>)
          %dma_wait3A = arith.constant 0 : i32
          %dma_wait3A_28 = tpu.memref_slice %arg7[%mul3A_15, %dma_wait3A] : memref<10000x128xf32, #tpu.memory_space<hbm>> -> memref<632x128xf32, #tpu.memory_space<hbm>>
          %dma_wait3A_29 = arith.constant 0 : i32
          %dma_wait3A_30 = tpu.memref_slice %arg12[%mul3A_15, %dma_wait3A_29] : memref<10240x128xf32, #tpu.memory_space<vmem_shared>> -> memref<632x128xf32, #tpu.memory_space<vmem_shared>>
          tpu.wait_dma2 semaphore(%run_scoped3A : memref<!tpu.dma_semaphore, #tpu.memory_space<semaphore_mem>>) src(%dma_wait3A_30 : memref<632x128xf32, #tpu.memory_space<vmem_shared>>) dst(%dma_wait3A_28 : memref<632x128xf32, #tpu.memory_space<hbm>>)
          tpu.yield
        }) : () -> ()
      } else {
      }
      %eq3A_20 = arith.constant 15 : i32
      %eq3A_21 = arith.cmpi eq, %arg1, %eq3A_20 : i32
      %convert_element_type3A_22 = arith.extui %eq3A_21 : i1 to i32
      %cond3A_23 = arith.constant 0 : i32
      %cond3A_24 = arith.cmpi ne, %convert_element_type3A_22, %cond3A_23 : i32
      scf.if %cond3A_24 {
        "tpu.region"() ({
          %run_scoped3A = tpu.sem_alloc : memref<!tpu.dma_semaphore, #tpu.memory_space<semaphore_mem>>
          %dma_start3A = arith.constant 9480 : i32
          %dma_start3A_25 = arith.constant 0 : i32
          %dma_start3A_26 = tpu.memref_slice %arg7[%dma_start3A, %dma_start3A_25] : memref<10000x128xf32, #tpu.memory_space<hbm>> -> memref<520x128xf32, #tpu.memory_space<hbm>>
          %dma_start3A_27 = arith.constant 9480 : i32
          %dma_start3A_28 = arith.constant 0 : i32
          %dma_start3A_29 = tpu.memref_slice %arg12[%dma_start3A_27, %dma_start3A_28] : memref<10240x128xf32, #tpu.memory_space<vmem_shared>> -> memref<520x128xf32, #tpu.memory_space<vmem_shared>>
          tpu.enqueue_dma source(%dma_start3A_29 : memref<520x128xf32, #tpu.memory_space<vmem_shared>>) target(%dma_start3A_26 : memref<520x128xf32, #tpu.memory_space<hbm>>) target_semaphore(%run_scoped3A : memref<!tpu.dma_semaphore, #tpu.memory_space<semaphore_mem>>)
          %dma_wait3A = arith.constant 9480 : i32
          %dma_wait3A_30 = arith.constant 0 : i32
          %dma_wait3A_31 = tpu.memref_slice %arg7[%dma_wait3A, %dma_wait3A_30] : memref<10000x128xf32, #tpu.memory_space<hbm>> -> memref<520x128xf32, #tpu.memory_space<hbm>>
          %dma_wait3A_32 = arith.constant 9480 : i32
          %dma_wait3A_33 = arith.constant 0 : i32
          %dma_wait3A_34 = tpu.memref_slice %arg12[%dma_wait3A_32, %dma_wait3A_33] : memref<10240x128xf32, #tpu.memory_space<vmem_shared>> -> memref<520x128xf32, #tpu.memory_space<vmem_shared>>
          tpu.wait_dma2 semaphore(%run_scoped3A : memref<!tpu.dma_semaphore, #tpu.memory_space<semaphore_mem>>) src(%dma_wait3A_34 : memref<520x128xf32, #tpu.memory_space<vmem_shared>>) dst(%dma_wait3A_31 : memref<520x128xf32, #tpu.memory_space<hbm>>)
          tpu.yield
        }) : () -> ()
      } else {
      }
    } else {
    }
    %eq3A_3 = arith.constant 1 : i32
    %eq3A_4 = arith.cmpi eq, %arg0, %eq3A_3 : i32
    %convert_element_type3A_5 = arith.extui %eq3A_4 : i1 to i32
    %cond3A_6 = arith.constant 0 : i32
    %cond3A_7 = arith.cmpi ne, %convert_element_type3A_5, %cond3A_6 : i32
    scf.if %cond3A_7 {
      %scan3A = arith.constant 0 : i32
      %scan3A_8 = arith.constant 0 : i32
      %scan3A_9 = arith.constant 79 : i32
      %scan3A_10 = arith.addi %scan3A_8, %scan3A_9 : i32
      %scan3A_11 = arith.constant 1 : i32
      scf.for %scan3A_25 = %scan3A_8 to %scan3A_10 step %scan3A_11  : i32 {
        %mul3A_26 = arith.constant 10112 : i32
        %mul3A_27 = arith.muli %arg1, %mul3A_26 : i32
        %mul3A_28 = arith.constant 128 : i32
        %mul3A_29 = arith.muli %scan3A_25, %mul3A_28 : i32
        %add3A = arith.addi %mul3A_27, %mul3A_29 : i32
        "tpu.region"() ({
          %run_scoped3A = tpu.sem_alloc : memref<!tpu.dma_semaphore, #tpu.memory_space<semaphore_mem>>
          %dma_start3A_34 = tpu.memref_slice %arg4[%add3A] : memref<161792xi32, #tpu.memory_space<hbm>> -> memref<128xi32, #tpu.memory_space<hbm>>
          %dma_start3A_35 = tpu.memref_slice %arg4[%add3A] : memref<161792xi32, #tpu.memory_space<hbm>> -> memref<128xi32, #tpu.memory_space<hbm>>
          tpu.enqueue_dma source(%dma_start3A_35 : memref<128xi32, #tpu.memory_space<hbm>>) target(%arg9 : memref<128xi32, #tpu.memory_space<vmem>>) target_semaphore(%run_scoped3A : memref<!tpu.dma_semaphore, #tpu.memory_space<semaphore_mem>>)
          %dma_wait3A_36 = tpu.memref_slice %arg4[%add3A] : memref<161792xi32, #tpu.memory_space<hbm>> -> memref<128xi32, #tpu.memory_space<hbm>>
          %dma_wait3A_37 = tpu.memref_slice %arg4[%add3A] : memref<161792xi32, #tpu.memory_space<hbm>> -> memref<128xi32, #tpu.memory_space<hbm>>
          tpu.wait_dma2 semaphore(%run_scoped3A : memref<!tpu.dma_semaphore, #tpu.memory_space<semaphore_mem>>) src(%dma_wait3A_37 : memref<128xi32, #tpu.memory_space<hbm>>) dst(%arg9 : memref<128xi32, #tpu.memory_space<vmem>>)
          tpu.yield
        }) : () -> ()
        "tpu.region"() ({
          %run_scoped3A = tpu.sem_alloc : memref<!tpu.dma_semaphore, #tpu.memory_space<semaphore_mem>>
          %dma_start3A_34 = tpu.memref_slice %arg5[%add3A] : memref<161792xi32, #tpu.memory_space<hbm>> -> memref<128xi32, #tpu.memory_space<hbm>>
          %dma_start3A_35 = tpu.memref_slice %arg5[%add3A] : memref<161792xi32, #tpu.memory_space<hbm>> -> memref<128xi32, #tpu.memory_space<hbm>>
          tpu.enqueue_dma source(%dma_start3A_35 : memref<128xi32, #tpu.memory_space<hbm>>) target(%arg10 : memref<128xi32, #tpu.memory_space<vmem>>) target_semaphore(%run_scoped3A : memref<!tpu.dma_semaphore, #tpu.memory_space<semaphore_mem>>)
          %dma_wait3A_36 = tpu.memref_slice %arg5[%add3A] : memref<161792xi32, #tpu.memory_space<hbm>> -> memref<128xi32, #tpu.memory_space<hbm>>
          %dma_wait3A_37 = tpu.memref_slice %arg5[%add3A] : memref<161792xi32, #tpu.memory_space<hbm>> -> memref<128xi32, #tpu.memory_space<hbm>>
          tpu.wait_dma2 semaphore(%run_scoped3A : memref<!tpu.dma_semaphore, #tpu.memory_space<semaphore_mem>>) src(%dma_wait3A_37 : memref<128xi32, #tpu.memory_space<hbm>>) dst(%arg10 : memref<128xi32, #tpu.memory_space<vmem>>)
          tpu.yield
        }) : () -> ()
        %dma_start3A = arith.constant 0 : i32
        %dma_start3A_30 = arith.constant 0 : i32
        %dma_start3A_31 = tpu.memref_slice %arg3[%dma_start3A, %dma_start3A_30] : memref<10000x128xf32, #tpu.memory_space<hbm>> -> memref<10000x128xf32, #tpu.memory_space<hbm>>
        tpu.enqueue_indirect_dma source(%dma_start3A_31 : memref<10000x128xf32, #tpu.memory_space<hbm>>) target(%arg11 : memref<128x128xf32, #tpu.memory_space<vmem>>) offsets(%arg9 : memref<128xi32, #tpu.memory_space<vmem>>) semaphore(%arg13 : memref<!tpu.dma_semaphore, #tpu.memory_space<semaphore_mem>>)
        %dma_wait3A = arith.constant 0 : i32
        %dma_wait3A_32 = arith.constant 0 : i32
        %dma_wait3A_33 = tpu.memref_slice %arg3[%dma_wait3A, %dma_wait3A_32] : memref<10000x128xf32, #tpu.memory_space<hbm>> -> memref<10000x128xf32, #tpu.memory_space<hbm>>
        tpu.wait_indirect_dma semaphore(%arg13 : memref<!tpu.dma_semaphore, #tpu.memory_space<semaphore_mem>>) src(%dma_wait3A_33 : memref<10000x128xf32, #tpu.memory_space<hbm>>) dst(%arg11 : memref<128x128xf32, #tpu.memory_space<vmem>>)
        "tpu.region"() ({
          %run_scoped3A = tpu.sem_alloc : memref<!tpu.dma_semaphore, #tpu.memory_space<semaphore_mem>>
          %dma_start3A_34 = arith.constant 0 : i32
          %dma_start3A_35 = arith.constant 0 : i32
          %dma_start3A_36 = tpu.memref_slice %arg12[%dma_start3A_34, %dma_start3A_35] : memref<10240x128xf32, #tpu.memory_space<vmem_shared>> -> memref<10240x128xf32, #tpu.memory_space<vmem_shared>>
          tpu.enqueue_indirect_dma source(%arg11 : memref<128x128xf32, #tpu.memory_space<vmem>>) target(%dma_start3A_36 : memref<10240x128xf32, #tpu.memory_space<vmem_shared>>) offsets(%arg10 : memref<128xi32, #tpu.memory_space<vmem>>) semaphore(%run_scoped3A : memref<!tpu.dma_semaphore, #tpu.memory_space<semaphore_mem>>) {add = true}
          %dma_wait3A_37 = arith.constant 0 : i32
          %dma_wait3A_38 = arith.constant 0 : i32
          %dma_wait3A_39 = tpu.memref_slice %arg12[%dma_wait3A_37, %dma_wait3A_38] : memref<10240x128xf32, #tpu.memory_space<vmem_shared>> -> memref<10240x128xf32, #tpu.memory_space<vmem_shared>>
          tpu.wait_indirect_dma semaphore(%run_scoped3A : memref<!tpu.dma_semaphore, #tpu.memory_space<semaphore_mem>>) src(%arg11 : memref<128x128xf32, #tpu.memory_space<vmem>>) dst(%dma_wait3A_39 : memref<10240x128xf32, #tpu.memory_space<vmem_shared>>)
          tpu.yield
        }) : () -> ()
      }
      %scan3A_12 = arith.constant 79 : i32
      %barrier3A_13 = arith.constant 0 : index
      tpu.barrier barrier_id(%barrier3A_13)
      %mul3A_14 = arith.constant 632 : i32
      %mul3A_15 = arith.muli %arg1, %mul3A_14 : i32
      %lt3A = arith.constant 15 : i32
      %lt3A_16 = arith.cmpi slt, %arg1, %lt3A : i32
      %convert_element_type3A_17 = arith.extui %lt3A_16 : i1 to i32
      %cond3A_18 = arith.constant 0 : i32
      %cond3A_19 = arith.cmpi ne, %convert_element_type3A_17, %cond3A_18 : i32
      scf.if %cond3A_19 {
        "tpu.region"() ({
          %run_scoped3A = tpu.sem_alloc : memref<!tpu.dma_semaphore, #tpu.memory_space<semaphore_mem>>
          %dma_start3A = arith.constant 0 : i32
          %dma_start3A_25 = tpu.memref_slice %arg8[%mul3A_15, %dma_start3A] : memref<10000x128xf32, #tpu.memory_space<hbm>> -> memref<632x128xf32, #tpu.memory_space<hbm>>
          %dma_start3A_26 = arith.constant 0 : i32
          %dma_start3A_27 = tpu.memref_slice %arg12[%mul3A_15, %dma_start3A_26] : memref<10240x128xf32, #tpu.memory_space<vmem_shared>> -> memref<632x128xf32, #tpu.memory_space<vmem_shared>>
          tpu.enqueue_dma source(%dma_start3A_27 : memref<632x128xf32, #tpu.memory_space<vmem_shared>>) target(%dma_start3A_25 : memref<632x128xf32, #tpu.memory_space<hbm>>) target_semaphore(%run_scoped3A : memref<!tpu.dma_semaphore, #tpu.memory_space<semaphore_mem>>)
          %dma_wait3A = arith.constant 0 : i32
          %dma_wait3A_28 = tpu.memref_slice %arg8[%mul3A_15, %dma_wait3A] : memref<10000x128xf32, #tpu.memory_space<hbm>> -> memref<632x128xf32, #tpu.memory_space<hbm>>
          %dma_wait3A_29 = arith.constant 0 : i32
          %dma_wait3A_30 = tpu.memref_slice %arg12[%mul3A_15, %dma_wait3A_29] : memref<10240x128xf32, #tpu.memory_space<vmem_shared>> -> memref<632x128xf32, #tpu.memory_space<vmem_shared>>
          tpu.wait_dma2 semaphore(%run_scoped3A : memref<!tpu.dma_semaphore, #tpu.memory_space<semaphore_mem>>) src(%dma_wait3A_30 : memref<632x128xf32, #tpu.memory_space<vmem_shared>>) dst(%dma_wait3A_28 : memref<632x128xf32, #tpu.memory_space<hbm>>)
          tpu.yield
        }) : () -> ()
      } else {
      }
      %eq3A_20 = arith.constant 15 : i32
      %eq3A_21 = arith.cmpi eq, %arg1, %eq3A_20 : i32
      %convert_element_type3A_22 = arith.extui %eq3A_21 : i1 to i32
      %cond3A_23 = arith.constant 0 : i32
      %cond3A_24 = arith.cmpi ne, %convert_element_type3A_22, %cond3A_23 : i32
      scf.if %cond3A_24 {
        "tpu.region"() ({
          %run_scoped3A = tpu.sem_alloc : memref<!tpu.dma_semaphore, #tpu.memory_space<semaphore_mem>>
          %dma_start3A = arith.constant 9480 : i32
          %dma_start3A_25 = arith.constant 0 : i32
          %dma_start3A_26 = tpu.memref_slice %arg8[%dma_start3A, %dma_start3A_25] : memref<10000x128xf32, #tpu.memory_space<hbm>> -> memref<520x128xf32, #tpu.memory_space<hbm>>
          %dma_start3A_27 = arith.constant 9480 : i32
          %dma_start3A_28 = arith.constant 0 : i32
          %dma_start3A_29 = tpu.memref_slice %arg12[%dma_start3A_27, %dma_start3A_28] : memref<10240x128xf32, #tpu.memory_space<vmem_shared>> -> memref<520x128xf32, #tpu.memory_space<vmem_shared>>
          tpu.enqueue_dma source(%dma_start3A_29 : memref<520x128xf32, #tpu.memory_space<vmem_shared>>) target(%dma_start3A_26 : memref<520x128xf32, #tpu.memory_space<hbm>>) target_semaphore(%run_scoped3A : memref<!tpu.dma_semaphore, #tpu.memory_space<semaphore_mem>>)
          %dma_wait3A = arith.constant 9480 : i32
          %dma_wait3A_30 = arith.constant 0 : i32
          %dma_wait3A_31 = tpu.memref_slice %arg8[%dma_wait3A, %dma_wait3A_30] : memref<10000x128xf32, #tpu.memory_space<hbm>> -> memref<520x128xf32, #tpu.memory_space<hbm>>
          %dma_wait3A_32 = arith.constant 9480 : i32
          %dma_wait3A_33 = arith.constant 0 : i32
          %dma_wait3A_34 = tpu.memref_slice %arg12[%dma_wait3A_32, %dma_wait3A_33] : memref<10240x128xf32, #tpu.memory_space<vmem_shared>> -> memref<520x128xf32, #tpu.memory_space<vmem_shared>>
          tpu.wait_dma2 semaphore(%run_scoped3A : memref<!tpu.dma_semaphore, #tpu.memory_space<semaphore_mem>>) src(%dma_wait3A_34 : memref<520x128xf32, #tpu.memory_space<vmem_shared>>) dst(%dma_wait3A_31 : memref<520x128xf32, #tpu.memory_space<hbm>>)
          tpu.yield
        }) : () -> ()
      } else {
      }
    } else {
    }
    return
  }
}

module attributes {stable_mosaic.version = 14 : i64} {
  func.func @_gemm_body(%arg0: i32, %arg1: memref<1000x256xf32, #tpu.memory_space<vmem>>, %arg2: memref<256x256xf32, #tpu.memory_space<vmem>>, %arg3: memref<1000x128xf32, #tpu.memory_space<vmem>>, %arg4: memref<1000x128xf32, #tpu.memory_space<vmem>>) attributes {dimension_semantics = [#tpu.dimension_semantics<arbitrary>], iteration_bounds = array<i64: 10>, scalar_prefetch = 0 : i64, scratch_operands = 0 : i64, tpu.core_type = #tpu.core_type<tc>, window_params = [{transform_indices = @transform_0, window_bounds = array<i64: 1000, 256>}, {pipeline_mode = #tpu.pipeline_mode<synchronous>, transform_indices = @transform_1, window_bounds = array<i64: 256, 256>}, {transform_indices = @transform_2, window_bounds = array<i64: 1000, 128>}, {transform_indices = @transform_3, window_bounds = array<i64: 1000, 128>}]} {
    %get3A = arith.constant 0 : index
    %get3A_0 = arith.constant 0 : index
    %get3A_1 = vector.load %arg1[%get3A, %get3A_0] : memref<1000x256xf32, #tpu.memory_space<vmem>>, vector<1000x256xf32>
    %get3A_2 = arith.constant 0 : index
    %get3A_3 = arith.constant 0 : index
    %get3A_4 = vector.load %arg2[%get3A_2, %get3A_3] : memref<256x256xf32, #tpu.memory_space<vmem>>, vector<256x256xf32>
    %dot_general3A = arith.constant dense<0.000000e+00> : vector<1000x256xf32>
    %dot_general3A_5 = tpu.matmul %get3A_1, %get3A_4, %dot_general3A {dimension_numbers = #tpu.dot_dimension_numbers<[1], [1], [0], [0], [0, 0, 1, 0], [], []>, transpose_lhs_hint = false} : vector<1000x256xf32>, vector<256x256xf32>, vector<1000x256xf32> -> vector<1000x256xf32>
    %slice3A = vector.extract_strided_slice %dot_general3A_5 {offsets = [0, 0], sizes = [1000, 128], strides = [1, 1]} : vector<1000x256xf32> to vector<1000x128xf32>
    %swap3A = arith.constant 0 : index
    %swap3A_6 = arith.constant 0 : index
    %swap3A_7 = vector.load %arg3[%swap3A, %swap3A_6] : memref<1000x128xf32, #tpu.memory_space<vmem>>, vector<1000x128xf32>
    tpu.vector_store %arg3[%swap3A, %swap3A_6], %slice3A {strides = array<i32>} : memref<1000x128xf32, #tpu.memory_space<vmem>>, vector<1000x128xf32>,
    %slice3A_8 = vector.extract_strided_slice %dot_general3A_5 {offsets = [0, 128], sizes = [1000, 128], strides = [1, 1]} : vector<1000x256xf32> to vector<1000x128xf32>
    %swap3A_9 = arith.constant 0 : index
    %swap3A_10 = arith.constant 0 : index
    %swap3A_11 = vector.load %arg4[%swap3A_9, %swap3A_10] : memref<1000x128xf32, #tpu.memory_space<vmem>>, vector<1000x128xf32>
    tpu.vector_store %arg4[%swap3A_9, %swap3A_10], %slice3A_8 {strides = array<i32>} : memref<1000x128xf32, #tpu.memory_space<vmem>>, vector<1000x128xf32>,
    return
  }
  func.func @transform_0(%arg0: i32) -> (i32, i32) {
    %c0_i32 = arith.constant 0 : i32
    %c0_i32_0 = arith.constant 0 : i32
    return %arg0, %c0_i32 : i32, i32
  }
  func.func @transform_1(%arg0: i32) -> (i32, i32) {
    %c0_i32 = arith.constant 0 : i32
    %c0_i32_0 = arith.constant 0 : i32
    %c0_i32_1 = arith.constant 0 : i32
    return %c0_i32, %c0_i32_0 : i32, i32
  }
  func.func @transform_2(%arg0: i32) -> (i32, i32) {
    %c0_i32 = arith.constant 0 : i32
    %c0_i32_0 = arith.constant 0 : i32
    return %arg0, %c0_i32 : i32, i32
  }
  func.func @transform_3(%arg0: i32) -> (i32, i32) {
    %c0_i32 = arith.constant 0 : i32
    %c0_i32_0 = arith.constant 0 : i32
    return %arg0, %c0_i32 : i32, i32
  }
}

</mosaic_0001>

<sc_bundles>
// kernel: kernel.4.cloned.1.call-start
scs
__scs_entry_jumppad:
0x0: {  	(pc) =	sbr.rel $0x88, $3  }
0x1: {  	(tag) =	ssettag $0x0;
	lr =	simm.s32 $0x1  }
0x2: {  	[smem:$0x3F9E] =	sst lr;
	_ =	strace $0xD0000000  }
0x3: {  	_ = 	snop  }
0x4: {  	_ = 	snop  }
0x5: {  	_ = 	snop  }
0x6: {  	_ = 	snop  }
0x7: {  	_ = 	snop  }
__scs_overlays_trampoline_lowered:
0x8: {  	[smem:$0x3FAD] =	sst s0  }
0x9: {  	[smem:$0x3FAE] =	sst s1  }
0xa: {  	[smem:$0x3FAF] =	sst s2  }
0xb: {  	[smem:$0x3FB0] =	sst s3  }
0xc: {  	[smem:$0x3FB1] =	sst s4  }
0xd: {  	[smem:$0x3FB2] =	sst s5  }
0xe: {  	[smem:$0x3FB3] =	sst s6  }
0xf: {  	[smem:$0x3FB4] =	sst s7  }
0x10: {  	[smem:$0x3FB5] =	sst s8  }
0x11: {  	[smem:$0x3FB6] =	sst s9;
	s0 =	simm.s32 @!p0 $0x0  }
0x12: {  	s1 =	sld [smem:$0x3F9C];
	s0 =	simm.s32 @p0 $0x1  }
0x13: {  	[smem:$0x3FB7] =	sst s0;
	s0 =	simm.s32 @!p1 $0x0  }
0x14: {  	s2 =	sld [smem:$0x3F9B];
	s0 =	simm.s32 @p1 $0x1  }
0x15: {  	[smem:$0x3FB8] =	sst s0;
	s0 =	simm.s32 @!p2 $0x0  }
0x16: {  	s3 =	sld [smem:$0x3FDB];
	s0 =	simm.s32 @p2 $0x1  }
0x17: {  	s4 =	simm.s32 $0x1BF5;
	[smem:$0x3FBA] =	sst s0  }
0x18: {  	s0 =	sld [smem:$0x3F9D];
	_ =	swait.ge [sflag:s4], $0x0  }
0x19: {  	s7 =	sld [smem:$0x3F9E]  }
0x1a: {  	s8 =	sadd.s32 $0xFFFFE003, lr  }
0x1b: {  	s9 =	sadd.s32 $0xFFFFFEF7, lr;
	s5 =	simm.s32 $0xFFFFFFFF;
	p2 =	slt.u32 s8, $0xFFFFF086  }
0x1c: {  	p1 =	slt.u32 s9, $0xF7A;
	s5 =	simm.s32 @!p2 $0x0  }
0x1d: {  	s5 =	simm.s32 @p1 $0x1;
	p0 =	seq.s32 s7, s2  }
0x1e: {  	s7 =	smul.u32 @!p0 $0xF7A, s2;
	p2 =	seq.s32 @!p0 s5, $0x0  }
0x1f: {  	s9 =	smul.u32 $0xF7A, s1;
	s8 =	simm.s32 @!p0 $0x1BF5;
	p2 =	por !p2, p0  }
0x20: {  	[sflag:s8] =	ssyncset.s32 @!p0 $0xFFFFF086;
	s6 =	sadd.s32 @!p0 s3, s7;
	s7 =	simm.s32 @!p0 $0x108  }
0x21: {  	s3 =	sadd.s32 s3, s9;
	s6 =	sadd.s32 @!p0 $0x88, s6;
	s7 =	simm.s32 @p2 $0x1082  }
0x22: {  	[simem:s7], [sflag:s8] =	dma.local @!p0 [hbm:s6], $0xF7A  }
0x23: {  	s9 =	sor.u32 $0xD0000000, s2;
	s6 =	simm.s32 $0x108;
	_ =	swait.ge @!p0 [sflag:s8], $0x0  }
0x24: {  	s3 =	sadd.s32 $0x88, s3;
	s6 =	simm.s32 @!p1 $0x1082;
	[sflag:s4] =	ssyncset.s32 $0xFFFFF086  }
0x25: {  	[simem:s6], [sflag:s4] =	dma.local [hbm:s3], $0xF7A  }
0x26: {  	[smem:$0x3F9E] =	sst s1;
	(tag) =	ssettag s2;
	_ =	strace s9  }
0x27: {  	s1 =	sld [smem:$0x3FAE]  }
0x28: {  	s2 =	sld [smem:$0x3FAF]  }
0x29: {  	s4 =	sld [smem:$0x3FB1]  }
0x2a: {  	p0 =	seq.s32 s5, $0x0;
	s5 =	sld [smem:$0x3FB2]  }
0x2b: {  	s6 =	sld [smem:$0x3FB3]  }
0x2c: {  	s7 =	sld [smem:$0x3FB4]  }
0x2d: {  	s3 =	simm.s32 $0x108;
	s8 =	sld [smem:$0x3FB5]  }
0x2e: {  	s3 =	simm.s32 @!p0 $0x1082;
	s9 =	sld [smem:$0x3FB6]  }
0x2f: {  	lr =	sadd.s32 s0, s3;
	s0 =	sld [smem:$0x3FAD]  }
0x30: {  	s3 =	sld [smem:$0x3FB0]  }
0x31: {  	[smem:$0x3FB9] =	sst s10  }
0x32: {  	s10 =	sld [smem:$0x3FB7];
	_ =	sdelay $0x3  }
0x33: {  	p0 =	seq.s32 s10, $0x1;
	s10 =	sld [smem:$0x3FB9];
	_ =	sdelay $0x3  }
0x34: {  	[smem:$0x3FB9] =	sst s10  }
0x35: {  	s10 =	sld [smem:$0x3FB8];
	_ =	sdelay $0x3  }
0x36: {  	p1 =	seq.s32 s10, $0x1;
	s10 =	sld [smem:$0x3FB9];
	_ =	sdelay $0x3  }
0x37: {  	[smem:$0x3FB9] =	sst s10  }
0x38: {  	s10 =	sld [smem:$0x3FBA]  }
0x39: {  	_ = 	snop;
	(pc) =	sbr.ind lr, $3  }
0x3a: {  	_ = 	snop  }
0x3b: {  	_ = 	snop  }
0x3c: {  	p2 =	seq.s32 s10, $0x1;
	s10 =	sld [smem:$0x3FB9]  }
0x3d: {  	_ =	shalt  }
0x3e: {  	_ =	shalt  }
0x3f: {  	_ =	shalt  }
0x40: {  	_ =	shalt  }
0x41: {  	_ =	shalt  }
0x42: {  	_ =	shalt  }
0x43: {  	_ =	shalt  }
0x44: {  	_ =	shalt  }
0x45: {  	_ =	shalt  }
0x46: {  	_ =	shalt  }
0x47: {  	_ =	shalt  }
0x48: {  	_ =	shalt  }
0x49: {  	_ =	shalt  }
0x4a: {  	_ =	shalt  }
0x4b: {  	_ =	shalt  }
0x4c: {  	_ =	shalt  }
0x4d: {  	_ =	shalt  }
0x4e: {  	_ =	shalt  }
0x4f: {  	_ =	shalt  }
0x50: {  	_ =	shalt  }
0x51: {  	_ =	shalt  }
0x52: {  	_ =	shalt  }
0x53: {  	_ =	shalt  }
0x54: {  	_ =	shalt  }
0x55: {  	_ =	shalt  }
0x56: {  	_ =	shalt  }
0x57: {  	_ =	shalt  }
0x58: {  	_ =	shalt  }
0x59: {  	_ =	shalt  }
0x5a: {  	_ =	shalt  }
0x5b: {  	_ =	shalt  }
0x5c: {  	_ =	shalt  }
0x5d: {  	_ =	shalt  }
0x5e: {  	_ =	shalt  }
0x5f: {  	_ =	shalt  }
0x60: {  	_ =	shalt  }
0x61: {  	_ =	shalt  }
0x62: {  	_ =	shalt  }
0x63: {  	_ =	shalt  }
0x64: {  	_ =	shalt  }
0x65: {  	_ =	shalt  }
0x66: {  	_ =	shalt  }
0x67: {  	_ =	shalt  }
0x68: {  	_ =	shalt  }
0x69: {  	_ =	shalt  }
0x6a: {  	_ =	shalt  }
0x6b: {  	_ =	shalt  }
0x6c: {  	_ =	shalt  }
0x6d: {  	_ =	shalt  }
0x6e: {  	_ =	shalt  }
0x6f: {  	_ =	shalt  }
0x70: {  	_ =	shalt  }
0x71: {  	_ =	shalt  }
0x72: {  	_ =	shalt  }
0x73: {  	_ =	shalt  }
0x74: {  	_ =	shalt  }
0x75: {  	_ =	shalt  }
0x76: {  	_ =	shalt  }
0x77: {  	_ =	shalt  }
0x78: {  	_ =	shalt  }
0x79: {  	_ =	shalt  }
0x7a: {  	_ =	shalt  }
0x7b: {  	_ =	shalt  }
0x7c: {  	_ =	shalt  }
0x7d: {  	_ =	shalt  }
0x7e: {  	_ =	shalt  }
0x7f: {  	_ =	shalt  }
0x80: {  	_ =	shalt  }
0x81: {  	_ =	shalt  }
0x82: {  	_ =	shalt  }
0x83: {  	_ =	shalt  }
0x84: {  	_ =	shalt  }
0x85: {  	_ =	shalt  }
0x86: {  	_ =	shalt  }
0x87: {  	_ =	shalt  }
.Lfunc_end0:
.L_simem_size_0:
called_computation_lowered:
.L_overlay_start_0:
0x88: {  	s2 =	sld [smem:$0x3FD9]  }
0x89: {  	s3 =	sld [smem:$0x3FFE];
	_ =	sdelay $0x1  }
0x8a: {  	s1 =	srdreg.scid  }
0x8b: {  	s0 =	sand.u32 $0x1, s1  }
0x8c: {  	s17 =	sshll.u32 s0, $0xA;
	s2 =	sadd.s32 s3, s2  }
0x8d: {  	s2 =	sadd.s32 s2, s17  }
0x8e: {  	[smem:$0x3FC5] =	sst s2  }
0x8f: {  	_ = 	snop  }
0x90: {  	s2 =	sld [smem:$0x3FD0];
	(tm) =	ssettm $0x1  }
0x91: {  	s18 =	sld [smem:$0x3FFB];
	_ =	sdelay $0x3  }
0x92: {  	_ =	strace s18  }
0x93: {  	s3 =	sld [smem:$0x3FFC];
	_ =	sdelay $0x3  }
0x94: {  	_ =	strace s3  }
0x95: {  	s3 =	sld [smem:$0x3FFD];
	_ =	sdelay $0x3  }
0x96: {  	_ =	strace s3  }
0x97: {  	_ =	strace $0x8FFFFFFF  }
0x98: {  	s19 =	sld [smem:$0x3FDB];
	_ =	sdelay $0x1  }
0x99: {  	s4 =	simm.s32 $_scs_section_size  }
0x9a: {  	s5 =	simm.s32 $_size__tile_overlayer_lowered;
	s6 =	simm.s32 $_tile_overlayer_lowered  }
0x9b: {  	s22 =	simm.s32 $0x1BFF;
	s21 =	sshll.u32 s6, $0x1;
	s3 =	sadd.s32 s4, s19  }
0x9c: {  	s7 =	simm.s32 $0x0;
	s20 =	sshll.u32 s5, $0x1;
	s5 =	sadd.s32 s21, s3  }
0x9d: {  	[timem:s7], [sflag:s22] =	dma.local [hbm:s5], s20  }
0x9e: {  	_ =	swait.ge [sflag:s22], s20  }
0x9f: {  	s4 =	ssub.s32 $0x0, s20;
	[sflag:s22] =	ssyncset.done $0x0  }
0xa0: {  	[sflag:s22] =	ssyncadd.s32 s4;
	_ =	sdelay $0x1  }
0xa1: {  	s23 =	simm.s32 $0x1B8B  }
0xa2: {  	_ =	swait.ge [sflag:s23], $0x1  }
0xa3: {  	[sflag:s23] =	ssyncset.done $0x0  }
0xa4: {  	s25 =	simm.s32 $0x1B8E;
	s24 =	sld [smem:$0x3FFE];
	[sflag:s23] =	ssyncadd.s32 $0xFFFFFFFF  }
0xa5: {  	s26 =	simm.s32 $execute0_lowered;
	[smem:$0x3FD2] =	sst s25  }
0xa6: {  	s5 =	sshll.u32 s26, $0x1;
	_ =	strace $0x80000046;
	[dreg:$0x1] =	wrdreg $0xFFFFFFFF  }
0xa7: {  	s28 =	simm.s32 $_size_execute0_lowered;
	s3 =	sadd.s32 s3, s5;
	[dreg:$0x0] =	wrdreg $0x0  }
0xa8: {  	s5 =	sshll.u32 s28, $0x1;
	[dreg:$0x2] =	wrdreg s3  }
0xa9: {  	[dreg:$0x3] =	wrdreg s5  }
0xaa: {  	[dreg:$0x4] =	wrdreg $0xC0  }
0xab: {  	_ =	task [dreg:s7], $0x5FFFF  }
0xac: {  	[dreg:$0x1] =	wrdreg $0xFFFFFFFF  }
0xad: {  	[dreg:$0x0] =	wrdreg $0x60  }
0xae: {  	[dreg:$0x2] =	wrdreg s2  }
0xaf: {  	[dreg:$0x3] =	wrdreg s24  }
0xb0: {  	[dreg:$0x4] =	wrdreg $0x41000  }
0xb1: {  	[dreg:$0x5] =	wrdreg $0x9  }
0xb2: {  	_ =	task.clear_ibuf [dreg:s7], $0x6FFFF;
	_ =	strace $0x90000046  }
0xb3: {  	s29 =	simm.s32 $0x9;
	_ =	strace $0x80000048  }
0xb4: {  	_ =	swait.ge [sflag:s29], $0x1  }
0xb5: {  	[sflag:s29] =	ssyncadd.s32 $0xFFFFFFFF  }
0xb6: {  	_ =	strace $0x90000048  }
0xb7: {  	_ =	sfence  }
0xb8: {  	s30 =	sld [smem:$0x0];
	_ =	sdelay $0x2  }
0xb9: {  	s31 =	sshll.u32 s1, $0xD;
	s1 =	sshrl.u32 s1, $0x2  }
0xba: {  	s3 =	sand.u32 $0x4000, s31;
	s1 =	sadd.s32 s1, s30  }
0xbb: {  	s0 =	sor.u32 s3, s0;
	s1 =	sshll.u32 s1, $0x11  }
0xbc: {  	s0 =	sor.u32 s1, s0  }
0xbd: {  	s0 =	sadd.s32 $0x8F2B, s0  }
0xbe: {  	[sflag:s0] =	ssyncadd.remote.s32 $0x1  }
0xbf: {  	_ =	sfence.sel $0xFFFF  }
0xc0: {  	[dreg:$0x0] =	wrdreg $0xFFFFFFFF;
	(pc) =	sbr.abs _section_cstart, $3  }
0xc1: {  	[dreg:$0x1] =	wrdreg $0xFFFFFFFF  }
0xc2: {  	_ =	task.clear_ibuf [dreg:s7], $0x2FFFF;
	_ =	strace $0x9FFFFFFF  }
0xc3: {  	(tm) =	ssettm $0x7FFFFFFF  }
tec
execute0_lowered:
.L_overlay_start_1:
0x0: {  	(tag) =	ssettag $0x1  }
0x1: {  	s1 =	rddreg [dreg:$0x0]  }
0x2: {  	s11 =	rddreg [dreg:$0x1]  }
0x3: {  	s3 =	rddreg [dreg:$0x2]  }
0x4: {  	s0 =	rddreg [dreg:$0x3]  }
0x5: {  	s4 =	simm.s32 $0x0;
	s2 =	stileid.u32;
	s8 =	srdreg.scid  }
0x6: {  	s16 =	simm.s32 $0x2;
	s17 =	simm.s32 $0x80;
	s6 =	smul.u32 $0x4F0, s2  }
0x7: {  	s18 =	simm.s32 $0x100;
	s19 =	simm.s32 $0x1;
	s7 =	smul.u32 $0x2780, s2  }
0x8: {  	s22 =	simm.s32 $0x0;
	[smem:$0x7FF] =	sst s4;
	s9 =	smul.u32 $0x50000, s2  }
0x9: {  	s5 =	sadd.s32 $0xAA00, s11;
	s8 =	sand.u32 $0x1, s8;
	s13 =	smul.u32 $0x4F000, s2  }
0xa: {  	s30 =	sshll.u32 s2, $0x6;
	s20 =	sadd.s32 $0x128400, s3;
	p1 =	seq.s32 s2, $0xF  }
0xb: {  	_ =	strace $0x80000047;
	s29 =	ssub.s32 $0x2, s8;
	p0 =	seq.s32 s8, $0x1  }
0xc: {  	s20 =	sshrl.u32 @p1 s20, $0x3;
	s14 =	sadd.s32 s6, s11;
	s6 =	sadd.s32 $0x31C00, s11  }
0xd: {  	s10 =	sadd.s32 s7, s11;
	s12 =	sshrl.u32 s29, $0x1;
	s9 =	sshrl.u32 s9, $0x2  }
.Ltmp0:
0xe: {  	s7 =	sor.u32 $0x1C02, s30;
	s31 =	sshrl.u32 s13, $0x2;
	(pc) =	sbr.rel .LBB2_1-.Ltmp0, $4  }
0xf: {  	s12 =	ssub.s32 s29, s12;
	s15 =	sadd.s32 s9, s3;
	s21 =	sadd.s32 s31, s3  }
0x10: {  	s8 =	sadd.s32 $0x34400, s10;
	s9 =	sadd.s32 $0x59480, s11;
	s10 =	sadd.s32 $0x5B600, s10  }
0x11: {  	s11 =	sadd.s32 $0x80680, s11;
	s13 =	sadd.s32 $0xA00, s14;
	s14 =	sadd.s32 $0x5A00, s14  }
0x12: {  	s12 =	smax.u32 s12, $0x1;
	s15 =	sshrl.u32 s15, $0x3;
	s21 =	sshrl.u32 @!p1 s21, $0x3  }
.LBB2_7:
0x13: {  	s24 =	sadd.s32 s23, s14;
	[sflag:s16] =	ssyncadd.s32 $0xFFFFC000  }
0x14: {  	[tilespmem:s4], [sflag:$0x2] =	stream.linear.gather [hbm4b:s24+s4], $0x80, $0x38;
	[tilespmem:$0x18100] =	vst v63  }
0x15: {  	_ =	swait.ge [sflag:s16], $0x80  }
0x16: {  	[sflag:s16] =	ssyncset.done $0x0  }
0x17: {  	s31 =	sadd.s32 s23, s13;
	[sflag:s16] =	ssyncadd.s32 $0xFFFFFF80  }
0x18: {  	[tilespmem:s17], [sflag:$0x2] =	stream.linear.gather [hbm4b:s31+s4], $0x80, $0x38;
	[tilespmem:$0x18100] =	vst v63  }
0x19: {  	_ =	swait.ge [sflag:s16], $0x80  }
0x1a: {  	[sflag:s16] =	ssyncset.done $0x0  }
0x1b: {  	[sflag:s16] =	ssyncadd.s32 $0xFFFFFF80  }
0x1c: {  	[tilespmem:s18], [sflag:$0x1] =	stream.indirect.gather [hbm4b:s5+s17], $0x80, s4, s17, $0xb8;
	[tilespmem:$0x18100] =	vst v63  }
0x1d: {  	_ =	swait.ge [sflag:s19], $0x4000  }
0x1e: {  	[sflag:s19] =	ssyncset.done $0x0  }
0x1f: {  	[sflag:s19] =	ssyncadd.s32 $0xFFFFC000  }
0x20: {  	[spmem:s3] =	stream.indirect.scatter.add.f32 [tilespmem:s18], [sflag:$0x2], $0x80, s17, s17, $0xb8;
	[tilespmem:$0x18100] =	vst v63  }
0x21: {  	_ =	swait.ge [sflag:s16], $0x4000  }
0x22: {  	[sflag:s16] =	ssyncset.done $0x0  }
0x23: {  	[sflag:s16] =	ssyncadd.s32 $0xFFFFC000  }
0x24: {  	s23 =	simm.s32 @p1 $0x2;
	[bflag:$0x0] =	sbarrier.arrive $0xFFFF  }
0x25: {  	[hbm:s11], [sflag:s7] =	dma.local @p1 [spmem:s20], $0x2080  }
0x26: {  	_ =	swait.ge @p1 [sflag:s23], $0x2080  }
0x27: {  	[sflag:s23] =	ssyncset.done @p1 $0x0  }
0x28: {  	[sflag:s23] =	ssyncadd.s32 @p1 $0xFFFFDF80;
	s23 =	simm.s32 @!p1 $0x2  }
0x29: {  	[hbm:s10], [sflag:s7] =	dma.local @!p1 [spmem:s21], $0x2780  }
0x2a: {  	_ =	swait.ge @!p1 [sflag:s23], $0x2780  }
0x2b: {  	[sflag:s23] =	ssyncset.done @!p1 $0x0  }
0x2c: {  	[sflag:s23] =	ssyncadd.s32 @!p1 $0xFFFFD880  }
.LBB2_8:
0x2d: {  	s22 =	sadd.s32 $0x1, s22  }
0x2e: {  	p2 =	sne.s32 s22, s12  }
.Ltmp1:
0x2f: {  	_ = 	snop;
	(pc) =	sbr.rel @!p2 .LBB2_9-.Ltmp1, $1  }
0x30: {  	_ =	sdelay $0x3  }
.LBB2_1:
0x31: {  	[spmem:s15], [sflag:s7] =	dma.local [hbm:s6], $0x2800  }
.Ltmp2:
0x32: {  	_ =	swait.ge [sflag:s16], $0x2800;
	(pc) =	sbr.rel @!p0 .LBB2_2-.Ltmp2, $4  }
0x33: {  	[sflag:s16] =	ssyncset.done $0x0  }
0x34: {  	[sflag:s16] =	ssyncadd.s32 $0xFFFFD800  }
0x35: {  	[bflag:$0x0] =	sbarrier.arrive $0xFFFF  }
0x36: {  	s23 =	sadd.s32 $0x0, s14  }
0x37: {  	[tilespmem:s4], [sflag:$0x2] =	stream.linear.gather [hbm4b:s23+s4], $0x80, $0x38;
	[tilespmem:$0x18100] =	vst v63  }
0x38: {  	_ =	swait.ge [sflag:s16], $0x80  }
0x39: {  	[sflag:s16] =	ssyncset.done $0x0  }
0x3a: {  	s31 =	sadd.s32 $0x0, s13;
	[sflag:s16] =	ssyncadd.s32 $0xFFFFFF80  }
0x3b: {  	[tilespmem:s17], [sflag:$0x2] =	stream.linear.gather [hbm4b:s31+s4], $0x80, $0x38;
	[tilespmem:$0x18100] =	vst v63  }
0x3c: {  	_ =	swait.ge [sflag:s16], $0x80  }
0x3d: {  	[sflag:s16] =	ssyncset.done $0x0  }
0x3e: {  	[sflag:s16] =	ssyncadd.s32 $0xFFFFFF80  }
0x3f: {  	[tilespmem:s18], [sflag:$0x1] =	stream.indirect.gather [hbm4b:s5+s17], $0x80, s4, s17, $0xb8;
	[tilespmem:$0x18100] =	vst v63  }
0x40: {  	_ =	swait.ge [sflag:s19], $0x4000  }
0x41: {  	[sflag:s19] =	ssyncset.done $0x0  }
0x42: {  	[sflag:s19] =	ssyncadd.s32 $0xFFFFC000  }
0x43: {  	[spmem:s3] =	stream.indirect.scatter.add.f32 [tilespmem:s18], [sflag:$0x2], $0x80, s17, s17, $0xb8;
	[tilespmem:$0x18100] =	vst v63  }
0x44: {  	_ =	swait.ge [sflag:s16], $0x4000  }
0x45: {  	s23 =	simm.s32 $0x10;
	s24 =	simm.s32 $0x20;
	[sflag:s16] =	ssyncset.done $0x0  }
.LBB2_6:
0x46: {  	s25 =	sadd.s32 s23, s14  }
0x47: {  	[sflag:s16] =	ssyncadd.s32 $0xFFFFC000;
	s26 =	smov.u32 s24;
	s28 =	sadd.s32 $0x10, s24  }
0x48: {  	[tilespmem:s4], [sflag:$0x2] =	stream.linear.gather [hbm4b:s25+s4], $0x80, $0x38;
	[tilespmem:$0x18100] =	vst v63  }
0x49: {  	p2 =	sne.s32 s24, $0x4E0;
	_ =	swait.ge [sflag:s16], $0x80  }
0x4a: {  	[sflag:s16] =	ssyncset.done $0x0  }
0x4b: {  	s24 =	sadd.s32 s23, s13;
	s23 =	smov.u32 s26;
	[sflag:s16] =	ssyncadd.s32 $0xFFFFFF80  }
0x4c: {  	[tilespmem:s17], [sflag:$0x2] =	stream.linear.gather [hbm4b:s24+s4], $0x80, $0x38;
	[tilespmem:$0x18100] =	vst v63  }
0x4d: {  	_ =	swait.ge [sflag:s16], $0x80  }
0x4e: {  	[sflag:s16] =	ssyncset.done $0x0  }
0x4f: {  	[sflag:s16] =	ssyncadd.s32 $0xFFFFFF80  }
0x50: {  	[tilespmem:s18], [sflag:$0x1] =	stream.indirect.gather [hbm4b:s5+s17], $0x80, s4, s17, $0xb8;
	[tilespmem:$0x18100] =	vst v63  }
0x51: {  	_ =	swait.ge [sflag:s19], $0x4000  }
.Ltmp3:
0x52: {  	[sflag:s19] =	ssyncset.done $0x0;
	(pc) =	sbr.rel @p2 .LBB2_6-.Ltmp3, $4  }
0x53: {  	[sflag:s19] =	ssyncadd.s32 $0xFFFFC000  }
0x54: {  	[spmem:s3] =	stream.indirect.scatter.add.f32 [tilespmem:s18], [sflag:$0x2], $0x80, s17, s17, $0xb8;
	[tilespmem:$0x18100] =	vst v63  }
0x55: {  	_ =	swait.ge [sflag:s16], $0x4000  }
0x56: {  	s24 =	smov.u32 s28;
	[sflag:s16] =	ssyncset.done $0x0  }
.Ltmp4:
0x57: {  	_ = 	snop;
	(pc) =	sbr.rel .LBB2_7-.Ltmp4, $1  }
0x58: {  	_ =	sdelay $0x3  }
.LBB2_2:
0x59: {  	[tilespmem:s4], [sflag:$0x2] =	stream.linear.gather [hbm4b:s23+s4], $0x80, $0x38;
	[tilespmem:$0x18100] =	vst v63  }
0x5a: {  	_ =	swait.ge [sflag:s16], $0x80  }
0x5b: {  	[sflag:s16] =	ssyncset.done $0x0  }
0x5c: {  	s31 =	sadd.s32 $0x0, s13;
	[sflag:s16] =	ssyncadd.s32 $0xFFFFFF80  }
0x5d: {  	[tilespmem:s17], [sflag:$0x2] =	stream.linear.gather [hbm4b:s31+s4], $0x80, $0x38;
	[tilespmem:$0x18100] =	vst v63  }
0x5e: {  	_ =	swait.ge [sflag:s16], $0x80  }
0x5f: {  	[sflag:s16] =	ssyncset.done $0x0  }
0x60: {  	[sflag:s16] =	ssyncadd.s32 $0xFFFFFF80  }
0x61: {  	[tilespmem:s18], [sflag:$0x1] =	stream.indirect.gather [hbm4b:s1+s17], $0x80, s4, s17, $0xb8;
	[tilespmem:$0x18100] =	vst v63  }
0x62: {  	_ =	swait.ge [sflag:s19], $0x4000  }
0x63: {  	[sflag:s19] =	ssyncset.done $0x0  }
0x64: {  	[sflag:s19] =	ssyncadd.s32 $0xFFFFC000  }
0x65: {  	[spmem:s3] =	stream.indirect.scatter.add.f32 [tilespmem:s18], [sflag:$0x2], $0x80, s17, s17, $0xb8;
	[tilespmem:$0x18100] =	vst v63  }
0x66: {  	_ =	swait.ge [sflag:s16], $0x4000  }
0x67: {  	s23 =	simm.s32 $0x10;
	s24 =	simm.s32 $0x20;
	[sflag:s16] =	ssyncset.done $0x0  }
.LBB2_3:
0x68: {  	s25 =	sadd.s32 s23, s14  }
0x69: {  	[sflag:s16] =	ssyncadd.s32 $0xFFFFC000;
	s26 =	smov.u32 s24;
	s28 =	sadd.s32 $0x10, s24  }
0x6a: {  	[tilespmem:s4], [sflag:$0x2] =	stream.linear.gather [hbm4b:s25+s4], $0x80, $0x38;
	[tilespmem:$0x18100] =	vst v63  }
0x6b: {  	p2 =	sne.s32 s24, $0x4E0;
	_ =	swait.ge [sflag:s16], $0x80  }
0x6c: {  	[sflag:s16] =	ssyncset.done $0x0  }
0x6d: {  	s24 =	sadd.s32 s23, s13;
	s23 =	smov.u32 s26;
	[sflag:s16] =	ssyncadd.s32 $0xFFFFFF80  }
0x6e: {  	[tilespmem:s17], [sflag:$0x2] =	stream.linear.gather [hbm4b:s24+s4], $0x80, $0x38;
	[tilespmem:$0x18100] =	vst v63  }
0x6f: {  	_ =	swait.ge [sflag:s16], $0x80  }
0x70: {  	[sflag:s16] =	ssyncset.done $0x0  }
0x71: {  	[sflag:s16] =	ssyncadd.s32 $0xFFFFFF80  }
0x72: {  	[tilespmem:s18], [sflag:$0x1] =	stream.indirect.gather [hbm4b:s1+s17], $0x80, s4, s17, $0xb8;
	[tilespmem:$0x18100] =	vst v63  }
0x73: {  	_ =	swait.ge [sflag:s19], $0x4000  }
.Ltmp5:
0x74: {  	[sflag:s19] =	ssyncset.done $0x0;
	(pc) =	sbr.rel @p2 .LBB2_3-.Ltmp5, $4  }
0x75: {  	[sflag:s19] =	ssyncadd.s32 $0xFFFFC000  }
0x76: {  	[spmem:s3] =	stream.indirect.scatter.add.f32 [tilespmem:s18], [sflag:$0x2], $0x80, s17, s17, $0xb8;
	[tilespmem:$0x18100] =	vst v63  }
0x77: {  	_ =	swait.ge [sflag:s16], $0x4000  }
0x78: {  	s24 =	smov.u32 s28;
	[sflag:s16] =	ssyncset.done $0x0  }
0x79: {  	s24 =	sadd.s32 s23, s14;
	[sflag:s16] =	ssyncadd.s32 $0xFFFFC000  }
0x7a: {  	[tilespmem:s4], [sflag:$0x2] =	stream.linear.gather [hbm4b:s24+s4], $0x80, $0x38;
	[tilespmem:$0x18100] =	vst v63  }
0x7b: {  	_ =	swait.ge [sflag:s16], $0x80  }
0x7c: {  	[sflag:s16] =	ssyncset.done $0x0  }
0x7d: {  	s31 =	sadd.s32 s23, s13;
	[sflag:s16] =	ssyncadd.s32 $0xFFFFFF80  }
0x7e: {  	[tilespmem:s17], [sflag:$0x2] =	stream.linear.gather [hbm4b:s31+s4], $0x80, $0x38;
	[tilespmem:$0x18100] =	vst v63  }
0x7f: {  	_ =	swait.ge [sflag:s16], $0x80  }
0x80: {  	[sflag:s16] =	ssyncset.done $0x0  }
0x81: {  	[sflag:s16] =	ssyncadd.s32 $0xFFFFFF80  }
0x82: {  	[tilespmem:s18], [sflag:$0x1] =	stream.indirect.gather [hbm4b:s1+s17], $0x80, s4, s17, $0xb8;
	[tilespmem:$0x18100] =	vst v63  }
0x83: {  	_ =	swait.ge [sflag:s19], $0x4000  }
0x84: {  	[sflag:s19] =	ssyncset.done $0x0  }
0x85: {  	[sflag:s19] =	ssyncadd.s32 $0xFFFFC000  }
0x86: {  	[spmem:s3] =	stream.indirect.scatter.add.f32 [tilespmem:s18], [sflag:$0x2], $0x80, s17, s17, $0xb8;
	[tilespmem:$0x18100] =	vst v63  }
0x87: {  	_ =	swait.ge [sflag:s16], $0x4000  }
0x88: {  	[sflag:s16] =	ssyncset.done $0x0  }
0x89: {  	[sflag:s16] =	ssyncadd.s32 $0xFFFFC000  }
0x8a: {  	s23 =	simm.s32 @p1 $0x2;
	[bflag:$0x0] =	sbarrier.arrive $0xFFFF  }
0x8b: {  	[hbm:s9], [sflag:s7] =	dma.local @p1 [spmem:s20], $0x2080  }
0x8c: {  	_ =	swait.ge @p1 [sflag:s23], $0x2080  }
0x8d: {  	[sflag:s23] =	ssyncset.done @p1 $0x0  }
.Ltmp6:
0x8e: {  	[sflag:s23] =	ssyncadd.s32 @p1 $0xFFFFDF80;
	s23 =	simm.s32 @!p1 $0x2;
	(pc) =	sbr.rel .LBB2_8-.Ltmp6, $4  }
0x8f: {  	[hbm:s8], [sflag:s7] =	dma.local @!p1 [spmem:s21], $0x2780  }
0x90: {  	_ =	swait.ge @!p1 [sflag:s23], $0x2780  }
0x91: {  	[sflag:s23] =	ssyncset.done @!p1 $0x0  }
0x92: {  	[sflag:s23] =	ssyncadd.s32 @!p1 $0xFFFFD880  }
.LBB2_9:
0x93: {  	_ =	sfence.sel $0x180000  }
0x94: {  	[bflag:$0x0] =	sbarrier.arrive $0xFFFF  }
0x95: {  	p0 =	sne.s32 s2, $0x0;
	_ =	strace $0x90000047  }
0x96: {  	s0 =	sadd.s32 @!p0 $0x100000, s0;
	[bflag:$0x2] =	sbarrier.arrive $0xFFFF  }
0x97: {  	[sflag:s0] =	ssyncadd.tile.s32 @!p0 $0x1;
	_ =	shalt  }
.Lfunc_end2:
_tile_overlayer_lowered:
.L_overlay_start_2:
0x98: {  	(tag) =	ssettag $0x2  }
0x99: {  	s0 =	rddreg [dreg:$0x0];
	s2 =	stileid.u32  }
0x9a: {  	s1 =	rddreg [dreg:$0x1];
	p0 =	sne.s32 s2, $0x0  }
0x9b: {  	s3 =	rddreg [dreg:$0x2];
	[bflag:$0x3] =	sbarrier.arrive $0xFFFF;
	s2 =	simm.s32 @!p0 $0x1C02  }
0x9c: {  	[timem:s3], [sflag:s2] =	dma.local @!p0 [hbm:s0], s1  }
0x9d: {  	s0 =	simm.s32 @!p0 $0x2  }
0x9e: {  	_ =	swait.ge @!p0 [sflag:s0], s1  }
0x9f: {  	s1 =	ssub.s32 @!p0 $0x0, s1;
	[sflag:s0] =	ssyncset.done @!p0 $0x0  }
0xa0: {  	[sflag:s0] =	ssyncadd.s32 @!p0 s1  }
0xa1: {  	[bflag:$0x3] =	sbarrier.arrive $0xFFFF  }
0xa2: {  	_ =	shalt  }

</sc_bundles>
